<compile_context>
chip_gen: v7x
topology: tpu7x:2x2x1
jax: 0.10.2.dev20260603
libtpu: 0.0.44.dev20260713+nightly
codegen_flags: <defaults>
</compile_context>

<pallas_src>
import functools

import jax
import jax.numpy as jnp
from jax import lax
from jax.experimental import pallas as pl
from jax.experimental.pallas import tpu as pltpu
from jax.experimental.pallas import tpu_sc as plsc

_S = 30.0
_BLOCK = 4096


def _sc_margin_gather(B):
    info = plsc.get_sparse_core_info()
    NC, NS, L = info.num_cores, info.num_subcores, info.num_lanes
    NW = NC * NS
    bw = B // NW
    KC = bw // 128
    mesh = plsc.VectorSubcoreMesh(core_axis_name="c", subcore_axis_name="s")

    @functools.partial(
        pl.kernel,
        mesh=mesh,
        out_type=jax.ShapeDtypeStruct((B,), jnp.float32),
        scratch_types=[
            pltpu.VMEM((bw,), jnp.int32),
            pltpu.VMEM((bw,), jnp.float32),
            pltpu.SemaphoreType.DMA,
        ],
    )
    def k(m_hbm, tgt_hbm, mt_out, tgt_v, mt_v, sem):
        wid = lax.axis_index("s") * NC + lax.axis_index("c")
        base = wid * bw
        pltpu.sync_copy(tgt_hbm.at[pl.ds(base, bw)], tgt_v)
        copies = [
            pltpu.async_copy(m_hbm.at[tgt_v.at[pl.ds(kk * 128, 128)]],
                             mt_v.at[pl.ds(kk * 128, 128)], sem)
            for kk in range(KC)
        ]
        for cp in copies:
            cp.wait()
        pltpu.sync_copy(mt_v, mt_out.at[pl.ds(base, bw)])

    return k


def _dense_kernel(logits_ref, tgt_ref, mx_ref, z_ref, xt_ref):
    x = logits_ref[...]
    t = tgt_ref[...]
    col = lax.broadcasted_iota(jnp.int32, x.shape, 1)
    onehot = col == t
    mx = jnp.max(x, axis=1, keepdims=True)
    z = jnp.sum(jnp.exp(x - mx), axis=1, keepdims=True)
    xt = jnp.sum(jnp.where(onehot, x, 0.0), axis=1, keepdims=True)
    mx_ref[...] = mx
    z_ref[...] = z
    xt_ref[...] = xt


def _combine_kernel(mx_ref, z_ref, xt_ref, mt_ref, out_ref):
    mx = mx_ref[...]
    z = z_ref[...]
    xt = xt_ref[...]
    adj = xt - _S * mt_ref[...]
    zadj = z - jnp.exp(xt - mx) + jnp.exp(adj - mx)
    out_ref[...] = jnp.full((1, 1), jnp.sum(mx + jnp.log(zadj) - adj),
                            jnp.float32)


def kernel(logits, m_list, target):
    B, C = logits.shape
    mx, z, xt = pl.pallas_call(
        _dense_kernel,
        grid=(B // _BLOCK,),
        in_specs=[
            pl.BlockSpec((_BLOCK, C), lambda i: (i, 0)),
            pl.BlockSpec((_BLOCK, 1), lambda i: (i, 0)),
        ],
        out_specs=[
            pl.BlockSpec((_BLOCK, 1), lambda i: (i, 0)),
            pl.BlockSpec((_BLOCK, 1), lambda i: (i, 0)),
            pl.BlockSpec((_BLOCK, 1), lambda i: (i, 0)),
        ],
        out_shape=[
            jax.ShapeDtypeStruct((B, 1), jnp.float32),
            jax.ShapeDtypeStruct((B, 1), jnp.float32),
            jax.ShapeDtypeStruct((B, 1), jnp.float32),
        ],
    )(logits, target.reshape(B, 1))
    mt = _sc_margin_gather(B)(m_list, target)
    sq = int(B ** 0.5)
    out = pl.pallas_call(
        _combine_kernel,
        in_specs=[pl.BlockSpec((sq, sq), lambda: (0, 0))] * 4,
        out_specs=pl.BlockSpec((1, 1), lambda: (0, 0)),
        out_shape=jax.ShapeDtypeStruct((1, 1), jnp.float32),
    )(mx.reshape(sq, sq), z.reshape(sq, sq), xt.reshape(sq, sq),
      mt.reshape(sq, sq))
    return (out[0, 0] / B).astype(jnp.float32)

# --- scband reference (transcript-rebuilt; emitter-appended) ---
"""Pipeline reference for scband-ldamloss-3152505995585 (READ-ONLY COPY).

The authoritative reference and input builder live on the scoring server;
editing this copy changes nothing except your own understanding.
"""

import jax, jax.numpy as jnp
import numpy as np

BATCH = 16384
N_CLASSES = 100
MAX_M = 0.5
S = 30.0

def _make_m_list():
    cls_num_list = np.arange(1000, 0, -10).astype(np.float64)  # [1000, 990, ..., 10]
    m_list = 1.0 / np.sqrt(np.maximum(cls_num_list, 1))
    m_list = m_list * (MAX_M / m_list.max())
    return jnp.asarray(m_list, dtype=jnp.float32)

def setup_inputs(seed: int = 0) -> dict:
    key = jax.random.key(seed)
    k1, k2 = jax.random.split(key)
    logits = jax.random.normal(k1, (BATCH, N_CLASSES), dtype=jnp.float32)
    target = jax.random.randint(k2, (BATCH,), 0, N_CLASSES, dtype=jnp.int32)
    m_list = _make_m_list()
    return {"logits": logits, "m_list": m_list, "target": target}

def reference(logits, m_list, target):
    # margins gathered per-sample from buffer m_list (gather -> SparseCore friendly)
    margins = jnp.take(m_list, target, axis=0)                      # [B]
    one_hot = jax.nn.one_hot(target, logits.shape[1], dtype=logits.dtype)  # [B, C]
    logits_adj = logits - one_hot * margins[:, None] * S
    # cross entropy with mean reduction, no class weights
    logp = jax.nn.log_softmax(logits_adj, axis=-1)
    nll = -jnp.take_along_axis(logp, target[:, None].astype(jnp.int32), axis=1)[:, 0]
    return jnp.mean(nll)

if __name__ == "__main__":
    import jax
    _d = setup_inputs()
    print(jax.jit(kernel)(*tuple(_d.values())))

</pallas_src>

<mosaic_0001>
#map = affine_map<(d0, d1) -> (0)>
module attributes {stable_mosaic.version = 14 : i64} {
  func.func @k(%arg0: i32, %arg1: i32, %arg2: memref<100xf32, #tpu.memory_space<hbm>>, %arg3: memref<16384xi32, #tpu.memory_space<hbm>>, %arg4: memref<16384xf32, #tpu.memory_space<hbm>>, %arg5: memref<512xi32, #tpu.memory_space<vmem>>, %arg6: memref<512xf32, #tpu.memory_space<vmem>>, %arg7: memref<!tpu.dma_semaphore, #tpu.memory_space<semaphore_mem>>) attributes {dimension_semantics = [#tpu.dimension_semantics<core_parallel>, #tpu.dimension_semantics<subcore_parallel>], iteration_bounds = array<i64: 2, 16>, scalar_prefetch = 0 : i64, scratch_operands = 3 : i64, tpu.core_type = #tpu.core_type<sc_vector_subcore>, window_params = [{transform_indices = #map}, {transform_indices = #map}, {transform_indices = #map}]} {
    %mul3A = arith.constant 2 : i32
    %mul3A_0 = arith.muli %arg1, %mul3A : i32
    %add3A = arith.addi %mul3A_0, %arg0 : i32
    %mul3A_1 = arith.constant 512 : i32
    %mul3A_2 = arith.muli %add3A, %mul3A_1 : i32
    "tpu.region"() ({
      %run_scoped3A = tpu.sem_alloc : memref<!tpu.dma_semaphore, #tpu.memory_space<semaphore_mem>>
      %dma_start3A_49 = tpu.memref_slice %arg3[%mul3A_2] : memref<16384xi32, #tpu.memory_space<hbm>> -> memref<512xi32, #tpu.memory_space<hbm>>
      %dma_start3A_50 = tpu.memref_slice %arg3[%mul3A_2] : memref<16384xi32, #tpu.memory_space<hbm>> -> memref<512xi32, #tpu.memory_space<hbm>>
      tpu.enqueue_dma source(%dma_start3A_50 : memref<512xi32, #tpu.memory_space<hbm>>) target(%arg5 : memref<512xi32, #tpu.memory_space<vmem>>) target_semaphore(%run_scoped3A : memref<!tpu.dma_semaphore, #tpu.memory_space<semaphore_mem>>)
      %dma_wait3A_51 = tpu.memref_slice %arg3[%mul3A_2] : memref<16384xi32, #tpu.memory_space<hbm>> -> memref<512xi32, #tpu.memory_space<hbm>>
      %dma_wait3A_52 = tpu.memref_slice %arg3[%mul3A_2] : memref<16384xi32, #tpu.memory_space<hbm>> -> memref<512xi32, #tpu.memory_space<hbm>>
      tpu.wait_dma2 semaphore(%run_scoped3A : memref<!tpu.dma_semaphore, #tpu.memory_space<semaphore_mem>>) src(%dma_wait3A_52 : memref<512xi32, #tpu.memory_space<hbm>>) dst(%arg5 : memref<512xi32, #tpu.memory_space<vmem>>)
      tpu.yield
    }) : () -> ()
    %dma_start3A = arith.constant 0 : i32
    %dma_start3A_3 = tpu.memref_slice %arg6[%dma_start3A] : memref<512xf32, #tpu.memory_space<vmem>> -> memref<128xf32, #tpu.memory_space<vmem>>
    %dma_start3A_4 = arith.constant 0 : i32
    %dma_start3A_5 = tpu.memref_slice %arg5[%dma_start3A_4] : memref<512xi32, #tpu.memory_space<vmem>> -> memref<128xi32, #tpu.memory_space<vmem>>
    %dma_start3A_6 = arith.constant 0 : i32
    %dma_start3A_7 = tpu.memref_slice %arg2[%dma_start3A_6] : memref<100xf32, #tpu.memory_space<hbm>> -> memref<100xf32, #tpu.memory_space<hbm>>
    tpu.enqueue_indirect_dma source(%dma_start3A_7 : memref<100xf32, #tpu.memory_space<hbm>>) target(%dma_start3A_3 : memref<128xf32, #tpu.memory_space<vmem>>) offsets(%dma_start3A_5 : memref<128xi32, #tpu.memory_space<vmem>>) semaphore(%arg7 : memref<!tpu.dma_semaphore, #tpu.memory_space<semaphore_mem>>)
    %dma_start3A_8 = arith.constant 128 : i32
    %dma_start3A_9 = tpu.memref_slice %arg6[%dma_start3A_8] : memref<512xf32, #tpu.memory_space<vmem>> -> memref<128xf32, #tpu.memory_space<vmem>>
    %dma_start3A_10 = arith.constant 128 : i32
    %dma_start3A_11 = tpu.memref_slice %arg5[%dma_start3A_10] : memref<512xi32, #tpu.memory_space<vmem>> -> memref<128xi32, #tpu.memory_space<vmem>>
    %dma_start3A_12 = arith.constant 0 : i32
    %dma_start3A_13 = tpu.memref_slice %arg2[%dma_start3A_12] : memref<100xf32, #tpu.memory_space<hbm>> -> memref<100xf32, #tpu.memory_space<hbm>>
    tpu.enqueue_indirect_dma source(%dma_start3A_13 : memref<100xf32, #tpu.memory_space<hbm>>) target(%dma_start3A_9 : memref<128xf32, #tpu.memory_space<vmem>>) offsets(%dma_start3A_11 : memref<128xi32, #tpu.memory_space<vmem>>) semaphore(%arg7 : memref<!tpu.dma_semaphore, #tpu.memory_space<semaphore_mem>>)
    %dma_start3A_14 = arith.constant 256 : i32
    %dma_start3A_15 = tpu.memref_slice %arg6[%dma_start3A_14] : memref<512xf32, #tpu.memory_space<vmem>> -> memref<128xf32, #tpu.memory_space<vmem>>
    %dma_start3A_16 = arith.constant 256 : i32
    %dma_start3A_17 = tpu.memref_slice %arg5[%dma_start3A_16] : memref<512xi32, #tpu.memory_space<vmem>> -> memref<128xi32, #tpu.memory_space<vmem>>
    %dma_start3A_18 = arith.constant 0 : i32
    %dma_start3A_19 = tpu.memref_slice %arg2[%dma_start3A_18] : memref<100xf32, #tpu.memory_space<hbm>> -> memref<100xf32, #tpu.memory_space<hbm>>
    tpu.enqueue_indirect_dma source(%dma_start3A_19 : memref<100xf32, #tpu.memory_space<hbm>>) target(%dma_start3A_15 : memref<128xf32, #tpu.memory_space<vmem>>) offsets(%dma_start3A_17 : memref<128xi32, #tpu.memory_space<vmem>>) semaphore(%arg7 : memref<!tpu.dma_semaphore, #tpu.memory_space<semaphore_mem>>)
    %dma_start3A_20 = arith.constant 384 : i32
    %dma_start3A_21 = tpu.memref_slice %arg6[%dma_start3A_20] : memref<512xf32, #tpu.memory_space<vmem>> -> memref<128xf32, #tpu.memory_space<vmem>>
    %dma_start3A_22 = arith.constant 384 : i32
    %dma_start3A_23 = tpu.memref_slice %arg5[%dma_start3A_22] : memref<512xi32, #tpu.memory_space<vmem>> -> memref<128xi32, #tpu.memory_space<vmem>>
    %dma_start3A_24 = arith.constant 0 : i32
    %dma_start3A_25 = tpu.memref_slice %arg2[%dma_start3A_24] : memref<100xf32, #tpu.memory_space<hbm>> -> memref<100xf32, #tpu.memory_space<hbm>>
    tpu.enqueue_indirect_dma source(%dma_start3A_25 : memref<100xf32, #tpu.memory_space<hbm>>) target(%dma_start3A_21 : memref<128xf32, #tpu.memory_space<vmem>>) offsets(%dma_start3A_23 : memref<128xi32, #tpu.memory_space<vmem>>) semaphore(%arg7 : memref<!tpu.dma_semaphore, #tpu.memory_space<semaphore_mem>>)
    %dma_wait3A = arith.constant 0 : i32
    %dma_wait3A_26 = tpu.memref_slice %arg6[%dma_wait3A] : memref<512xf32, #tpu.memory_space<vmem>> -> memref<128xf32, #tpu.memory_space<vmem>>
    %dma_wait3A_27 = arith.constant 0 : i32
    %dma_wait3A_28 = tpu.memref_slice %arg5[%dma_wait3A_27] : memref<512xi32, #tpu.memory_space<vmem>> -> memref<128xi32, #tpu.memory_space<vmem>>
    %dma_wait3A_29 = arith.constant 0 : i32
    %dma_wait3A_30 = tpu.memref_slice %arg2[%dma_wait3A_29] : memref<100xf32, #tpu.memory_space<hbm>> -> memref<100xf32, #tpu.memory_space<hbm>>
    tpu.wait_indirect_dma semaphore(%arg7 : memref<!tpu.dma_semaphore, #tpu.memory_space<semaphore_mem>>) src(%dma_wait3A_30 : memref<100xf32, #tpu.memory_space<hbm>>) dst(%dma_wait3A_26 : memref<128xf32, #tpu.memory_space<vmem>>)
    %dma_wait3A_31 = arith.constant 128 : i32
    %dma_wait3A_32 = tpu.memref_slice %arg6[%dma_wait3A_31] : memref<512xf32, #tpu.memory_space<vmem>> -> memref<128xf32, #tpu.memory_space<vmem>>
    %dma_wait3A_33 = arith.constant 128 : i32
    %dma_wait3A_34 = tpu.memref_slice %arg5[%dma_wait3A_33] : memref<512xi32, #tpu.memory_space<vmem>> -> memref<128xi32, #tpu.memory_space<vmem>>
    %dma_wait3A_35 = arith.constant 0 : i32
    %dma_wait3A_36 = tpu.memref_slice %arg2[%dma_wait3A_35] : memref<100xf32, #tpu.memory_space<hbm>> -> memref<100xf32, #tpu.memory_space<hbm>>
    tpu.wait_indirect_dma semaphore(%arg7 : memref<!tpu.dma_semaphore, #tpu.memory_space<semaphore_mem>>) src(%dma_wait3A_36 : memref<100xf32, #tpu.memory_space<hbm>>) dst(%dma_wait3A_32 : memref<128xf32, #tpu.memory_space<vmem>>)
    %dma_wait3A_37 = arith.constant 256 : i32
    %dma_wait3A_38 = tpu.memref_slice %arg6[%dma_wait3A_37] : memref<512xf32, #tpu.memory_space<vmem>> -> memref<128xf32, #tpu.memory_space<vmem>>
    %dma_wait3A_39 = arith.constant 256 : i32
    %dma_wait3A_40 = tpu.memref_slice %arg5[%dma_wait3A_39] : memref<512xi32, #tpu.memory_space<vmem>> -> memref<128xi32, #tpu.memory_space<vmem>>
    %dma_wait3A_41 = arith.constant 0 : i32
    %dma_wait3A_42 = tpu.memref_slice %arg2[%dma_wait3A_41] : memref<100xf32, #tpu.memory_space<hbm>> -> memref<100xf32, #tpu.memory_space<hbm>>
    tpu.wait_indirect_dma semaphore(%arg7 : memref<!tpu.dma_semaphore, #tpu.memory_space<semaphore_mem>>) src(%dma_wait3A_42 : memref<100xf32, #tpu.memory_space<hbm>>) dst(%dma_wait3A_38 : memref<128xf32, #tpu.memory_space<vmem>>)
    %dma_wait3A_43 = arith.constant 384 : i32
    %dma_wait3A_44 = tpu.memref_slice %arg6[%dma_wait3A_43] : memref<512xf32, #tpu.memory_space<vmem>> -> memref<128xf32, #tpu.memory_space<vmem>>
    %dma_wait3A_45 = arith.constant 384 : i32
    %dma_wait3A_46 = tpu.memref_slice %arg5[%dma_wait3A_45] : memref<512xi32, #tpu.memory_space<vmem>> -> memref<128xi32, #tpu.memory_space<vmem>>
    %dma_wait3A_47 = arith.constant 0 : i32
    %dma_wait3A_48 = tpu.memref_slice %arg2[%dma_wait3A_47] : memref<100xf32, #tpu.memory_space<hbm>> -> memref<100xf32, #tpu.memory_space<hbm>>
    tpu.wait_indirect_dma semaphore(%arg7 : memref<!tpu.dma_semaphore, #tpu.memory_space<semaphore_mem>>) src(%dma_wait3A_48 : memref<100xf32, #tpu.memory_space<hbm>>) dst(%dma_wait3A_44 : memref<128xf32, #tpu.memory_space<vmem>>)
    "tpu.region"() ({
      %run_scoped3A = tpu.sem_alloc : memref<!tpu.dma_semaphore, #tpu.memory_space<semaphore_mem>>
      %dma_start3A_49 = tpu.memref_slice %arg4[%mul3A_2] : memref<16384xf32, #tpu.memory_space<hbm>> -> memref<512xf32, #tpu.memory_space<hbm>>
      %dma_start3A_50 = tpu.memref_slice %arg4[%mul3A_2] : memref<16384xf32, #tpu.memory_space<hbm>> -> memref<512xf32, #tpu.memory_space<hbm>>
      tpu.enqueue_dma source(%arg6 : memref<512xf32, #tpu.memory_space<vmem>>) target(%dma_start3A_50 : memref<512xf32, #tpu.memory_space<hbm>>) target_semaphore(%run_scoped3A : memref<!tpu.dma_semaphore, #tpu.memory_space<semaphore_mem>>)
      %dma_wait3A_51 = tpu.memref_slice %arg4[%mul3A_2] : memref<16384xf32, #tpu.memory_space<hbm>> -> memref<512xf32, #tpu.memory_space<hbm>>
      %dma_wait3A_52 = tpu.memref_slice %arg4[%mul3A_2] : memref<16384xf32, #tpu.memory_space<hbm>> -> memref<512xf32, #tpu.memory_space<hbm>>
      tpu.wait_dma2 semaphore(%run_scoped3A : memref<!tpu.dma_semaphore, #tpu.memory_space<semaphore_mem>>) src(%arg6 : memref<512xf32, #tpu.memory_space<vmem>>) dst(%dma_wait3A_52 : memref<512xf32, #tpu.memory_space<hbm>>)
      tpu.yield
    }) : () -> ()
    return
  }
}

module attributes {stable_mosaic.version = 14 : i64} {
  func.func @_dense_kernel(%arg0: i32, %arg1: memref<4096x100xf32, #tpu.memory_space<vmem>>, %arg2: memref<4096x1xi32, #tpu.memory_space<vmem>>, %arg3: memref<4096x1xf32, #tpu.memory_space<vmem>>, %arg4: memref<4096x1xf32, #tpu.memory_space<vmem>>, %arg5: memref<4096x1xf32, #tpu.memory_space<vmem>>) attributes {dimension_semantics = [#tpu.dimension_semantics<arbitrary>], iteration_bounds = array<i64: 4>, scalar_prefetch = 0 : i64, scratch_operands = 0 : i64, tpu.core_type = #tpu.core_type<tc>, window_params = [{transform_indices = @transform_0, window_bounds = array<i64: 4096, 100>}, {transform_indices = @transform_1, window_bounds = array<i64: 4096, 1>}, {transform_indices = @transform_2, window_bounds = array<i64: 4096, 1>}, {transform_indices = @transform_3, window_bounds = array<i64: 4096, 1>}, {transform_indices = @transform_4, window_bounds = array<i64: 4096, 1>}]} {
    %get3A = arith.constant 0 : index
    %get3A_0 = arith.constant 0 : index
    %get3A_1 = vector.load %arg1[%get3A, %get3A_0] : memref<4096x100xf32, #tpu.memory_space<vmem>>, vector<4096x100xf32>
    %get3A_2 = arith.constant 0 : index
    %get3A_3 = arith.constant 0 : index
    %get3A_4 = vector.load %arg2[%get3A_2, %get3A_3] : memref<4096x1xi32, #tpu.memory_space<vmem>>, vector<4096x1xi32>
    %iota3A = tpu.iota {dimensions = array<i32: 1>} : vector<4096x100xi32>
    %eq3A = vector.broadcast %get3A_4 : vector<4096x1xi32> to vector<4096x100xi32>
    %eq3A_5 = arith.cmpi eq, %iota3A, %eq3A : vector<4096x100xi32>
    %reduce_max3A = arith.constant dense<0xFF800000> : vector<4096xf32>
    %reduce_max3A_6 = vector.multi_reduction <maximumf>, %get3A_1, %reduce_max3A [1] : vector<4096x100xf32> to vector<4096xf32>
    %broadcast_in_dim3A = vector.shape_cast %reduce_max3A_6 : vector<4096xf32> to vector<4096x1xf32>
    %sub3A = vector.broadcast %broadcast_in_dim3A : vector<4096x1xf32> to vector<4096x100xf32>
    %sub3A_7 = arith.subf %get3A_1, %sub3A : vector<4096x100xf32>
    %exp3A = math.exp %sub3A_7 : vector<4096x100xf32>
    %reduce_sum3A = arith.constant dense<0.000000e+00> : vector<4096xf32>
    %reduce_sum3A_8 = vector.multi_reduction <add>, %exp3A, %reduce_sum3A [1] : vector<4096x100xf32> to vector<4096xf32>
    %broadcast_in_dim3A_9 = vector.shape_cast %reduce_sum3A_8 : vector<4096xf32> to vector<4096x1xf32>
    %jit3A = arith.constant 0.000000e+00 : f32
    %broadcast_in_dim3A_10 = vector.broadcast %jit3A : f32 to vector<4096x100xf32>
    %select_n3A = arith.select %eq3A_5, %get3A_1, %broadcast_in_dim3A_10 : vector<4096x100xi1>, vector<4096x100xf32>
    %reduce_sum3A_11 = arith.constant dense<0.000000e+00> : vector<4096xf32>
    %reduce_sum3A_12 = vector.multi_reduction <add>, %select_n3A, %reduce_sum3A_11 [1] : vector<4096x100xf32> to vector<4096xf32>
    %broadcast_in_dim3A_13 = vector.shape_cast %reduce_sum3A_12 : vector<4096xf32> to vector<4096x1xf32>
    %swap3A = arith.constant 0 : index
    %swap3A_14 = arith.constant 0 : index
    %swap3A_15 = vector.load %arg3[%swap3A, %swap3A_14] : memref<4096x1xf32, #tpu.memory_space<vmem>>, vector<4096x1xf32>
    tpu.vector_store %arg3[%swap3A, %swap3A_14], %broadcast_in_dim3A {strides = array<i32>} : memref<4096x1xf32, #tpu.memory_space<vmem>>, vector<4096x1xf32>,
    %swap3A_16 = arith.constant 0 : index
    %swap3A_17 = arith.constant 0 : index
    %swap3A_18 = vector.load %arg4[%swap3A_16, %swap3A_17] : memref<4096x1xf32, #tpu.memory_space<vmem>>, vector<4096x1xf32>
    tpu.vector_store %arg4[%swap3A_16, %swap3A_17], %broadcast_in_dim3A_9 {strides = array<i32>} : memref<4096x1xf32, #tpu.memory_space<vmem>>, vector<4096x1xf32>,
    %swap3A_19 = arith.constant 0 : index
    %swap3A_20 = arith.constant 0 : index
    %swap3A_21 = vector.load %arg5[%swap3A_19, %swap3A_20] : memref<4096x1xf32, #tpu.memory_space<vmem>>, vector<4096x1xf32>
    tpu.vector_store %arg5[%swap3A_19, %swap3A_20], %broadcast_in_dim3A_13 {strides = array<i32>} : memref<4096x1xf32, #tpu.memory_space<vmem>>, vector<4096x1xf32>,
    return
  }
  func.func @transform_0(%arg0: i32) -> (i32, i32) {
    %c0_i32 = arith.constant 0 : i32
    %c0_i32_0 = arith.constant 0 : i32
    return %arg0, %c0_i32 : i32, i32
  }
  func.func @transform_1(%arg0: i32) -> (i32, i32) {
    %c0_i32 = arith.constant 0 : i32
    %c0_i32_0 = arith.constant 0 : i32
    return %arg0, %c0_i32 : i32, i32
  }
  func.func @transform_2(%arg0: i32) -> (i32, i32) {
    %c0_i32 = arith.constant 0 : i32
    %c0_i32_0 = arith.constant 0 : i32
    return %arg0, %c0_i32 : i32, i32
  }
  func.func @transform_3(%arg0: i32) -> (i32, i32) {
    %c0_i32 = arith.constant 0 : i32
    %c0_i32_0 = arith.constant 0 : i32
    return %arg0, %c0_i32 : i32, i32
  }
  func.func @transform_4(%arg0: i32) -> (i32, i32) {
    %c0_i32 = arith.constant 0 : i32
    %c0_i32_0 = arith.constant 0 : i32
    return %arg0, %c0_i32 : i32, i32
  }
}

module attributes {stable_mosaic.version = 14 : i64} {
  func.func @_combine_kernel(%arg0: memref<128x128xf32, #tpu.memory_space<vmem>>, %arg1: memref<128x128xf32, #tpu.memory_space<vmem>>, %arg2: memref<128x128xf32, #tpu.memory_space<vmem>>, %arg3: memref<128x128xf32, #tpu.memory_space<vmem>>, %arg4: memref<1x1xf32, #tpu.memory_space<vmem>>) attributes {dimension_semantics = [], scalar_prefetch = 0 : i64, scratch_operands = 0 : i64, tpu.core_type = #tpu.core_type<tc>} {
    %get3A = arith.constant 0 : index
    %get3A_0 = arith.constant 0 : index
    %get3A_1 = vector.load %arg0[%get3A, %get3A_0] : memref<128x128xf32, #tpu.memory_space<vmem>>, vector<128x128xf32>
    %get3A_2 = arith.constant 0 : index
    %get3A_3 = arith.constant 0 : index
    %get3A_4 = vector.load %arg1[%get3A_2, %get3A_3] : memref<128x128xf32, #tpu.memory_space<vmem>>, vector<128x128xf32>
    %get3A_5 = arith.constant 0 : index
    %get3A_6 = arith.constant 0 : index
    %get3A_7 = vector.load %arg2[%get3A_5, %get3A_6] : memref<128x128xf32, #tpu.memory_space<vmem>>, vector<128x128xf32>
    %get3A_8 = arith.constant 0 : index
    %get3A_9 = arith.constant 0 : index
    %get3A_10 = vector.load %arg3[%get3A_8, %get3A_9] : memref<128x128xf32, #tpu.memory_space<vmem>>, vector<128x128xf32>
    %mul3A = arith.constant 3.000000e+01 : f32
    %mul3A_11 = vector.broadcast %mul3A : f32 to vector<128x128xf32>
    %mul3A_12 = arith.mulf %mul3A_11, %get3A_10 : vector<128x128xf32>
    %sub3A = arith.subf %get3A_7, %mul3A_12 : vector<128x128xf32>
    %sub3A_13 = arith.subf %get3A_7, %get3A_1 : vector<128x128xf32>
    %exp3A = math.exp %sub3A_13 : vector<128x128xf32>
    %sub3A_14 = arith.subf %get3A_4, %exp3A : vector<128x128xf32>
    %sub3A_15 = arith.subf %sub3A, %get3A_1 : vector<128x128xf32>
    %exp3A_16 = math.exp %sub3A_15 : vector<128x128xf32>
    %add3A = arith.addf %sub3A_14, %exp3A_16 : vector<128x128xf32>
    %log3A = math.log %add3A : vector<128x128xf32>
    %add3A_17 = arith.addf %get3A_1, %log3A : vector<128x128xf32>
    %sub3A_18 = arith.subf %add3A_17, %sub3A : vector<128x128xf32>
    %reduce_sum3A = vector.shape_cast %sub3A_18 : vector<128x128xf32> to vector<1x128x128xf32>
    %reduce_sum3A_19 = arith.constant dense<0.000000e+00> : vector<1xf32>
    %reduce_sum3A_20 = vector.multi_reduction <add>, %reduce_sum3A, %reduce_sum3A_19 [1, 2] : vector<1x128x128xf32> to vector<1xf32>
    %reduce_sum3A_21 = vector.shape_cast %reduce_sum3A_20 : vector<1xf32> to vector<1x1x1xf32>
    %reduce_sum3A_22 = vector.extract %reduce_sum3A_21[0, 0, 0] : f32 from vector<1x1x1xf32>
    %broadcast_in_dim3A = vector.broadcast %reduce_sum3A_22 : f32 to vector<1x1xf32>
    %swap3A = arith.constant 0 : index
    %swap3A_23 = arith.constant 0 : index
    %swap3A_24 = vector.load %arg4[%swap3A, %swap3A_23] : memref<1x1xf32, #tpu.memory_space<vmem>>, vector<1x1xf32>
    tpu.vector_store %arg4[%swap3A, %swap3A_23], %broadcast_in_dim3A {strides = array<i32>} : memref<1x1xf32, #tpu.memory_space<vmem>>, vector<1x1xf32>,
    return
  }
}

</mosaic_0001>

<sc_bundles>
// kernel: kernel.5.cloned.1.call-start
scs
__scs_entry_jumppad:
0x0: {  	(pc) =	sbr.rel $0x88, $3  }
0x1: {  	(tag) =	ssettag $0x0;
	lr =	simm.s32 $0x1  }
0x2: {  	[smem:$0x3F9E] =	sst lr;
	_ =	strace $0xD0000000  }
0x3: {  	_ = 	snop  }
0x4: {  	_ = 	snop  }
0x5: {  	_ = 	snop  }
0x6: {  	_ = 	snop  }
0x7: {  	_ = 	snop  }
__scs_overlays_trampoline_lowered:
0x8: {  	[smem:$0x3FAD] =	sst s0  }
0x9: {  	[smem:$0x3FAE] =	sst s1  }
0xa: {  	[smem:$0x3FAF] =	sst s2  }
0xb: {  	[smem:$0x3FB0] =	sst s3  }
0xc: {  	[smem:$0x3FB1] =	sst s4  }
0xd: {  	[smem:$0x3FB2] =	sst s5  }
0xe: {  	[smem:$0x3FB3] =	sst s6  }
0xf: {  	[smem:$0x3FB4] =	sst s7  }
0x10: {  	[smem:$0x3FB5] =	sst s8  }
0x11: {  	[smem:$0x3FB6] =	sst s9;
	s0 =	simm.s32 @!p0 $0x0  }
0x12: {  	s1 =	sld [smem:$0x3F9C];
	s0 =	simm.s32 @p0 $0x1  }
0x13: {  	[smem:$0x3FB7] =	sst s0;
	s0 =	simm.s32 @!p1 $0x0  }
0x14: {  	s2 =	sld [smem:$0x3F9B];
	s0 =	simm.s32 @p1 $0x1  }
0x15: {  	[smem:$0x3FB8] =	sst s0;
	s0 =	simm.s32 @!p2 $0x0  }
0x16: {  	s3 =	sld [smem:$0x3FDB];
	s0 =	simm.s32 @p2 $0x1  }
0x17: {  	s4 =	simm.s32 $0x1BF5;
	[smem:$0x3FBA] =	sst s0  }
0x18: {  	s0 =	sld [smem:$0x3F9D];
	_ =	swait.ge [sflag:s4], $0x0  }
0x19: {  	s7 =	sld [smem:$0x3F9E]  }
0x1a: {  	s8 =	sadd.s32 $0xFFFFE003, lr  }
0x1b: {  	s9 =	sadd.s32 $0xFFFFFEF7, lr;
	s5 =	simm.s32 $0xFFFFFFFF;
	p2 =	slt.u32 s8, $0xFFFFF086  }
0x1c: {  	p1 =	slt.u32 s9, $0xF7A;
	s5 =	simm.s32 @!p2 $0x0  }
0x1d: {  	s5 =	simm.s32 @p1 $0x1;
	p0 =	seq.s32 s7, s2  }
0x1e: {  	s7 =	smul.u32 @!p0 $0xF7A, s2;
	p2 =	seq.s32 @!p0 s5, $0x0  }
0x1f: {  	s9 =	smul.u32 $0xF7A, s1;
	s8 =	simm.s32 @!p0 $0x1BF5;
	p2 =	por !p2, p0  }
0x20: {  	[sflag:s8] =	ssyncset.s32 @!p0 $0xFFFFF086;
	s6 =	sadd.s32 @!p0 s3, s7;
	s7 =	simm.s32 @!p0 $0x108  }
0x21: {  	s3 =	sadd.s32 s3, s9;
	s6 =	sadd.s32 @!p0 $0x88, s6;
	s7 =	simm.s32 @p2 $0x1082  }
0x22: {  	[simem:s7], [sflag:s8] =	dma.local @!p0 [hbm:s6], $0xF7A  }
0x23: {  	s9 =	sor.u32 $0xD0000000, s2;
	s6 =	simm.s32 $0x108;
	_ =	swait.ge @!p0 [sflag:s8], $0x0  }
0x24: {  	s3 =	sadd.s32 $0x88, s3;
	s6 =	simm.s32 @!p1 $0x1082;
	[sflag:s4] =	ssyncset.s32 $0xFFFFF086  }
0x25: {  	[simem:s6], [sflag:s4] =	dma.local [hbm:s3], $0xF7A  }
0x26: {  	[smem:$0x3F9E] =	sst s1;
	(tag) =	ssettag s2;
	_ =	strace s9  }
0x27: {  	s1 =	sld [smem:$0x3FAE]  }
0x28: {  	s2 =	sld [smem:$0x3FAF]  }
0x29: {  	s4 =	sld [smem:$0x3FB1]  }
0x2a: {  	p0 =	seq.s32 s5, $0x0;
	s5 =	sld [smem:$0x3FB2]  }
0x2b: {  	s6 =	sld [smem:$0x3FB3]  }
0x2c: {  	s7 =	sld [smem:$0x3FB4]  }
0x2d: {  	s3 =	simm.s32 $0x108;
	s8 =	sld [smem:$0x3FB5]  }
0x2e: {  	s3 =	simm.s32 @!p0 $0x1082;
	s9 =	sld [smem:$0x3FB6]  }
0x2f: {  	lr =	sadd.s32 s0, s3;
	s0 =	sld [smem:$0x3FAD]  }
0x30: {  	s3 =	sld [smem:$0x3FB0]  }
0x31: {  	[smem:$0x3FB9] =	sst s10  }
0x32: {  	s10 =	sld [smem:$0x3FB7];
	_ =	sdelay $0x3  }
0x33: {  	p0 =	seq.s32 s10, $0x1;
	s10 =	sld [smem:$0x3FB9];
	_ =	sdelay $0x3  }
0x34: {  	[smem:$0x3FB9] =	sst s10  }
0x35: {  	s10 =	sld [smem:$0x3FB8];
	_ =	sdelay $0x3  }
0x36: {  	p1 =	seq.s32 s10, $0x1;
	s10 =	sld [smem:$0x3FB9];
	_ =	sdelay $0x3  }
0x37: {  	[smem:$0x3FB9] =	sst s10  }
0x38: {  	s10 =	sld [smem:$0x3FBA]  }
0x39: {  	_ = 	snop;
	(pc) =	sbr.ind lr, $3  }
0x3a: {  	_ = 	snop  }
0x3b: {  	_ = 	snop  }
0x3c: {  	p2 =	seq.s32 s10, $0x1;
	s10 =	sld [smem:$0x3FB9]  }
0x3d: {  	_ =	shalt  }
0x3e: {  	_ =	shalt  }
0x3f: {  	_ =	shalt  }
0x40: {  	_ =	shalt  }
0x41: {  	_ =	shalt  }
0x42: {  	_ =	shalt  }
0x43: {  	_ =	shalt  }
0x44: {  	_ =	shalt  }
0x45: {  	_ =	shalt  }
0x46: {  	_ =	shalt  }
0x47: {  	_ =	shalt  }
0x48: {  	_ =	shalt  }
0x49: {  	_ =	shalt  }
0x4a: {  	_ =	shalt  }
0x4b: {  	_ =	shalt  }
0x4c: {  	_ =	shalt  }
0x4d: {  	_ =	shalt  }
0x4e: {  	_ =	shalt  }
0x4f: {  	_ =	shalt  }
0x50: {  	_ =	shalt  }
0x51: {  	_ =	shalt  }
0x52: {  	_ =	shalt  }
0x53: {  	_ =	shalt  }
0x54: {  	_ =	shalt  }
0x55: {  	_ =	shalt  }
0x56: {  	_ =	shalt  }
0x57: {  	_ =	shalt  }
0x58: {  	_ =	shalt  }
0x59: {  	_ =	shalt  }
0x5a: {  	_ =	shalt  }
0x5b: {  	_ =	shalt  }
0x5c: {  	_ =	shalt  }
0x5d: {  	_ =	shalt  }
0x5e: {  	_ =	shalt  }
0x5f: {  	_ =	shalt  }
0x60: {  	_ =	shalt  }
0x61: {  	_ =	shalt  }
0x62: {  	_ =	shalt  }
0x63: {  	_ =	shalt  }
0x64: {  	_ =	shalt  }
0x65: {  	_ =	shalt  }
0x66: {  	_ =	shalt  }
0x67: {  	_ =	shalt  }
0x68: {  	_ =	shalt  }
0x69: {  	_ =	shalt  }
0x6a: {  	_ =	shalt  }
0x6b: {  	_ =	shalt  }
0x6c: {  	_ =	shalt  }
0x6d: {  	_ =	shalt  }
0x6e: {  	_ =	shalt  }
0x6f: {  	_ =	shalt  }
0x70: {  	_ =	shalt  }
0x71: {  	_ =	shalt  }
0x72: {  	_ =	shalt  }
0x73: {  	_ =	shalt  }
0x74: {  	_ =	shalt  }
0x75: {  	_ =	shalt  }
0x76: {  	_ =	shalt  }
0x77: {  	_ =	shalt  }
0x78: {  	_ =	shalt  }
0x79: {  	_ =	shalt  }
0x7a: {  	_ =	shalt  }
0x7b: {  	_ =	shalt  }
0x7c: {  	_ =	shalt  }
0x7d: {  	_ =	shalt  }
0x7e: {  	_ =	shalt  }
0x7f: {  	_ =	shalt  }
0x80: {  	_ =	shalt  }
0x81: {  	_ =	shalt  }
0x82: {  	_ =	shalt  }
0x83: {  	_ =	shalt  }
0x84: {  	_ =	shalt  }
0x85: {  	_ =	shalt  }
0x86: {  	_ =	shalt  }
0x87: {  	_ =	shalt  }
.Lfunc_end0:
.L_simem_size_0:
called_computation_lowered:
.L_overlay_start_0:
0x88: {  	s2 =	sld [smem:$0x3FD9]  }
0x89: {  	s3 =	sld [smem:$0x3FFE];
	_ =	sdelay $0x1  }
0x8a: {  	s1 =	srdreg.scid  }
0x8b: {  	s0 =	sand.u32 $0x1, s1  }
0x8c: {  	s17 =	sshll.u32 s0, $0xA;
	s2 =	sadd.s32 s3, s2  }
0x8d: {  	s2 =	sadd.s32 s2, s17  }
0x8e: {  	[smem:$0x3FC5] =	sst s2  }
0x8f: {  	_ = 	snop  }
0x90: {  	s2 =	sld [smem:$0x3FC8]  }
0x91: {  	s18 =	sld [smem:$0x3FC7];
	(tm) =	ssettm $0x1  }
0x92: {  	s4 =	sld [smem:$0x3FFB];
	_ =	sdelay $0x3  }
0x93: {  	_ =	strace s4  }
0x94: {  	s4 =	sld [smem:$0x3FFC];
	_ =	sdelay $0x3  }
0x95: {  	_ =	strace s4  }
0x96: {  	s4 =	sld [smem:$0x3FFD];
	_ =	sdelay $0x3  }
0x97: {  	_ =	strace s4  }
0x98: {  	_ =	strace $0x8FFFFFFF  }
0x99: {  	s19 =	sld [smem:$0x3FDB];
	_ =	sdelay $0x1  }
0x9a: {  	s5 =	simm.s32 $_scs_section_size  }
0x9b: {  	s6 =	simm.s32 $_size__tile_overlayer_lowered;
	s7 =	simm.s32 $_tile_overlayer_lowered  }
0x9c: {  	s22 =	simm.s32 $0x1BFF;
	s21 =	sshll.u32 s7, $0x1;
	s4 =	sadd.s32 s5, s19  }
0x9d: {  	s8 =	simm.s32 $0x0;
	s20 =	sshll.u32 s6, $0x1;
	s6 =	sadd.s32 s21, s4  }
0x9e: {  	[timem:s8], [sflag:s22] =	dma.local [hbm:s6], s20  }
0x9f: {  	_ =	swait.ge [sflag:s22], s20  }
0xa0: {  	s5 =	ssub.s32 $0x0, s20;
	[sflag:s22] =	ssyncset.done $0x0  }
0xa1: {  	[sflag:s22] =	ssyncadd.s32 s5;
	_ =	sdelay $0x1  }
0xa2: {  	s23 =	simm.s32 $0x1B8B  }
0xa3: {  	_ =	swait.ge [sflag:s23], $0x1  }
0xa4: {  	[sflag:s23] =	ssyncset.done $0x0  }
0xa5: {  	s25 =	simm.s32 $0x1B8E;
	s24 =	sld [smem:$0x3FFE];
	[sflag:s23] =	ssyncadd.s32 $0xFFFFFFFF  }
0xa6: {  	s26 =	simm.s32 $execute0_lowered;
	[smem:$0x3FD2] =	sst s25  }
0xa7: {  	s6 =	sshll.u32 s26, $0x1;
	_ =	strace $0x80000046;
	[dreg:$0x1] =	wrdreg $0xFFFFFFFF  }
0xa8: {  	s28 =	simm.s32 $_size_execute0_lowered;
	s4 =	sadd.s32 s4, s6;
	[dreg:$0x0] =	wrdreg $0x0  }
0xa9: {  	s6 =	sshll.u32 s28, $0x1;
	[dreg:$0x2] =	wrdreg s4  }
0xaa: {  	[dreg:$0x3] =	wrdreg s6  }
0xab: {  	[dreg:$0x4] =	wrdreg $0xC0  }
0xac: {  	_ =	task [dreg:s8], $0x5FFFF  }
0xad: {  	[dreg:$0x1] =	wrdreg $0xFFFFFFFF  }
0xae: {  	[dreg:$0x0] =	wrdreg $0x60  }
0xaf: {  	[dreg:$0x2] =	wrdreg s2  }
0xb0: {  	[dreg:$0x3] =	wrdreg s18  }
0xb1: {  	[dreg:$0x4] =	wrdreg s24  }
0xb2: {  	[dreg:$0x5] =	wrdreg $0x9  }
0xb3: {  	_ =	task.clear_ibuf [dreg:s8], $0x6FFFF;
	_ =	strace $0x90000046  }
0xb4: {  	s29 =	simm.s32 $0x9;
	_ =	strace $0x80000048  }
0xb5: {  	_ =	swait.ge [sflag:s29], $0x1  }
0xb6: {  	[sflag:s29] =	ssyncadd.s32 $0xFFFFFFFF  }
0xb7: {  	_ =	strace $0x90000048  }
0xb8: {  	_ =	sfence  }
0xb9: {  	s30 =	sld [smem:$0x0];
	_ =	sdelay $0x2  }
0xba: {  	s31 =	sshll.u32 s1, $0xD;
	s1 =	sshrl.u32 s1, $0x2  }
0xbb: {  	s3 =	sand.u32 $0x4000, s31;
	s1 =	sadd.s32 s1, s30  }
0xbc: {  	s0 =	sor.u32 s3, s0;
	s1 =	sshll.u32 s1, $0x11  }
0xbd: {  	s0 =	sor.u32 s1, s0  }
0xbe: {  	s0 =	sadd.s32 $0x8F2B, s0  }
0xbf: {  	[sflag:s0] =	ssyncadd.remote.s32 $0x1  }
0xc0: {  	_ =	sfence.sel $0xFFFF  }
0xc1: {  	[dreg:$0x0] =	wrdreg $0xFFFFFFFF;
	(pc) =	sbr.abs _section_cstart, $3  }
0xc2: {  	[dreg:$0x1] =	wrdreg $0xFFFFFFFF  }
0xc3: {  	_ =	task.clear_ibuf [dreg:s8], $0x2FFFF;
	_ =	strace $0x9FFFFFFF  }
0xc4: {  	(tm) =	ssettm $0x7FFFFFFF  }
0xc5: {  	_ =	shalt  }
tec
execute0_lowered:
.L_overlay_start_1:
0x0: {  	(tag) =	ssettag $0x1  }
0x1: {  	s2 =	rddreg [dreg:$0x0]  }
0x2: {  	s4 =	rddreg [dreg:$0x1]  }
0x3: {  	s14 =	rddreg [dreg:$0x2];
	s3 =	srdreg.scid  }
0x4: {  	s0 =	rddreg [dreg:$0x3];
	s1 =	stileid.u32;
	s15 =	sand.u32 $0x1, s3  }
0x5: {  	s3 =	simm.s32 $0x0;
	s5 =	sshll.u32 s1, $0x7;
	s6 =	sshll.u32 s15, $0x6  }
0x6: {  	[smem:$0x7FF] =	sst s3;
	s16 =	sor.u32 s6, s5  }
0x7: {  	_ =	strace $0x80000047;
	s5 =	sadd.s32 s4, s16;
	s4 =	simm.s32 $0x2  }
0x8: {  	[tilespmem:s3], [sflag:$0x2] =	stream.linear.gather [hbm4b:s5+s3], $0x200, $0x38;
	[tilespmem:$0x400] =	vst v63  }
0x9: {  	_ =	swait.ge [sflag:s4], $0x200  }
0xa: {  	[sflag:s4] =	ssyncset.done $0x0  }
0xb: {  	s7 =	simm.s32 $0x200;
	s6 =	simm.s32 $0x80;
	[sflag:s4] =	ssyncadd.s32 $0xFFFFFE00  }
0xc: {  	[tilespmem:s7], [sflag:$0x1] =	stream.indirect.gather [hbm4b:s2+s6], $0x1, s3, s6, $0xb8;
	[tilespmem:$0x400] =	vst v63  }
0xd: {  	s8 =	simm.s32 $0x280  }
0xe: {  	[tilespmem:s8], [sflag:$0x1] =	stream.indirect.gather [hbm4b:s2+s6], $0x1, s6, s6, $0xb8;
	[tilespmem:$0x400] =	vst v63  }
0xf: {  	s9 =	simm.s32 $0x100;
	s10 =	simm.s32 $0x300  }
0x10: {  	[tilespmem:s10], [sflag:$0x1] =	stream.indirect.gather [hbm4b:s2+s6], $0x1, s9, s6, $0xb8;
	[tilespmem:$0x400] =	vst v63  }
0x11: {  	s11 =	simm.s32 $0x180;
	s12 =	simm.s32 $0x380;
	s13 =	simm.s32 $0x1  }
0x12: {  	[tilespmem:s12], [sflag:$0x1] =	stream.indirect.gather [hbm4b:s2+s6], $0x1, s11, s6, $0xb8;
	[tilespmem:$0x400] =	vst v63  }
0x13: {  	_ =	swait.ge [sflag:s13], $0x80  }
0x14: {  	[sflag:s13] =	ssyncset.done $0x0  }
0x15: {  	[sflag:s13] =	ssyncadd.s32 $0xFFFFFF80  }
0x16: {  	_ =	swait.ge [sflag:s13], $0x80  }
0x17: {  	[sflag:s13] =	ssyncset.done $0x0  }
0x18: {  	s15 =	ssub.s32 $0x2, s15;
	[sflag:s13] =	ssyncadd.s32 $0xFFFFFF80  }
0x19: {  	s17 =	sshrl.u32 s15, $0x1;
	_ =	swait.ge [sflag:s13], $0x80  }
0x1a: {  	s15 =	ssub.s32 s15, s17;
	[sflag:s13] =	ssyncset.done $0x0  }
0x1b: {  	s15 =	smax.u32 s15, $0x1;
	[sflag:s13] =	ssyncadd.s32 $0xFFFFFF80  }
0x1c: {  	p0 =	sne.s32 s15, $0x1;
	_ =	swait.ge [sflag:s13], $0x80  }
.Ltmp0:
0x1d: {  	s14 =	sadd.s32 s16, s14;
	[sflag:s13] =	ssyncset.done $0x0;
	(pc) =	sbr.rel @!p0 .LBB2_2-.Ltmp0, $4  }
0x1e: {  	s14 =	sadd.s32 $0x200, s14;
	[sflag:s13] =	ssyncadd.s32 $0xFFFFFF80  }
0x1f: {  	[hbm4b:s14+s3] =	stream.linear.scatter [tilespmem:s7], [sflag:$0x2], $0x200, $0x38;
	[tilespmem:$0x400] =	vst v63  }
0x20: {  	_ =	swait.ge [sflag:s4], $0x200  }
0x21: {  	s15 =	sadd.s32 $0xFFFFFFFF, s15;
	[sflag:s4] =	ssyncset.done $0x0  }
.LBB2_1:
0x22: {  	p0 =	sne.s32 s15, $0x1;
	s15 =	sadd.s32 $0xFFFFFFFF, s15;
	[sflag:s4] =	ssyncadd.s32 $0xFFFFFE00  }
0x23: {  	[tilespmem:s3], [sflag:$0x2] =	stream.linear.gather [hbm4b:s5+s3], $0x200, $0x38;
	[tilespmem:$0x400] =	vst v63  }
0x24: {  	_ =	swait.ge [sflag:s4], $0x200  }
0x25: {  	[sflag:s4] =	ssyncset.done $0x0  }
0x26: {  	[sflag:s4] =	ssyncadd.s32 $0xFFFFFE00  }
0x27: {  	[tilespmem:s7], [sflag:$0x1] =	stream.indirect.gather [hbm4b:s2+s6], $0x1, s3, s6, $0xb8;
	[tilespmem:$0x400] =	vst v63  }
0x28: {  	_ = 	snop  }
0x29: {  	[tilespmem:s8], [sflag:$0x1] =	stream.indirect.gather [hbm4b:s2+s6], $0x1, s6, s6, $0xb8;
	[tilespmem:$0x400] =	vst v63  }
0x2a: {  	_ = 	snop  }
0x2b: {  	[tilespmem:s10], [sflag:$0x1] =	stream.indirect.gather [hbm4b:s2+s6], $0x1, s9, s6, $0xb8;
	[tilespmem:$0x400] =	vst v63  }
0x2c: {  	_ = 	snop  }
0x2d: {  	[tilespmem:s12], [sflag:$0x1] =	stream.indirect.gather [hbm4b:s2+s6], $0x1, s11, s6, $0xb8;
	[tilespmem:$0x400] =	vst v63  }
0x2e: {  	_ =	swait.ge [sflag:s13], $0x80  }
0x2f: {  	[sflag:s13] =	ssyncset.done $0x0  }
0x30: {  	[sflag:s13] =	ssyncadd.s32 $0xFFFFFF80  }
0x31: {  	_ =	swait.ge [sflag:s13], $0x80  }
0x32: {  	[sflag:s13] =	ssyncset.done $0x0  }
0x33: {  	[sflag:s13] =	ssyncadd.s32 $0xFFFFFF80  }
0x34: {  	_ =	swait.ge [sflag:s13], $0x80  }
0x35: {  	[sflag:s13] =	ssyncset.done $0x0  }
0x36: {  	[sflag:s13] =	ssyncadd.s32 $0xFFFFFF80  }
0x37: {  	_ =	swait.ge [sflag:s13], $0x80  }
.Ltmp1:
0x38: {  	[sflag:s13] =	ssyncset.done $0x0;
	(pc) =	sbr.rel @p0 .LBB2_1-.Ltmp1, $4  }
0x39: {  	[sflag:s13] =	ssyncadd.s32 $0xFFFFFF80  }
0x3a: {  	[hbm4b:s14+s3] =	stream.linear.scatter [tilespmem:s7], [sflag:$0x2], $0x200, $0x38;
	[tilespmem:$0x400] =	vst v63  }
0x3b: {  	_ =	swait.ge [sflag:s4], $0x200  }
0x3c: {  	[sflag:s4] =	ssyncset.done $0x0  }
.LBB2_2:
0x3d: {  	[sflag:s4] =	ssyncadd.s32 $0xFFFFFE00  }
0x3e: {  	_ =	sfence.sel $0x180000  }
0x3f: {  	[bflag:$0x0] =	sbarrier.arrive $0xFFFF  }
0x40: {  	p0 =	sne.s32 s1, $0x0;
	_ =	strace $0x90000047  }
0x41: {  	s0 =	sadd.s32 @!p0 $0x100000, s0;
	[bflag:$0x2] =	sbarrier.arrive $0xFFFF  }
0x42: {  	[sflag:s0] =	ssyncadd.tile.s32 @!p0 $0x1;
	_ =	shalt  }
.Lfunc_end2:
_tile_overlayer_lowered:
.L_overlay_start_2:
0x43: {  	(tag) =	ssettag $0x2  }
0x44: {  	s0 =	rddreg [dreg:$0x0];
	s2 =	stileid.u32  }
0x45: {  	s1 =	rddreg [dreg:$0x1];
	p0 =	sne.s32 s2, $0x0  }
0x46: {  	s3 =	rddreg [dreg:$0x2];
	[bflag:$0x3] =	sbarrier.arrive $0xFFFF;
	s2 =	simm.s32 @!p0 $0x1C02  }
0x47: {  	[timem:s3], [sflag:s2] =	dma.local @!p0 [hbm:s0], s1  }
0x48: {  	s0 =	simm.s32 @!p0 $0x2  }
0x49: {  	_ =	swait.ge @!p0 [sflag:s0], s1  }
0x4a: {  	s1 =	ssub.s32 @!p0 $0x0, s1;
	[sflag:s0] =	ssyncset.done @!p0 $0x0  }
0x4b: {  	[sflag:s0] =	ssyncadd.s32 @!p0 s1  }
0x4c: {  	[bflag:$0x3] =	sbarrier.arrive $0xFFFF  }
0x4d: {  	_ =	shalt  }

</sc_bundles>
